<compile_context>
chip_gen: v7x
topology: tpu7x:2x2x1
jax: 0.10.2.dev20260603
libtpu: 0.0.44.dev20260713+nightly
codegen_flags: <defaults>
</compile_context>

<pallas_src>
import functools

import jax
import jax.numpy as jnp
import numpy as np
from jax import lax
from jax.experimental import pallas as pl
from jax.experimental.pallas import tpu as pltpu
from jax.experimental.pallas import tpu_sc as plsc

B, N, D = 8, 256, 128
R = B * N
NC, NS, L = 2, 16, 16
NW = NC * NS
RPW = R // NW

_r = np.arange(R, dtype=np.int32)
_IDX = (_r // N) * (N * N) + (_r % N) * (N + 1)


def _diag_kernel(data_hbm, outd_hbm, idx_v, rows_v, sem_d):
    wid = lax.axis_index("s") * NC + lax.axis_index("c")
    base = wid * RPW
    b = base // N
    n0 = base % N
    for c in range(RPW // L):
        start = b * (N * N) + (n0 + c * L) * (N + 1)
        idx_v[pl.ds(c * L, L)] = (jnp.full((L,), start, jnp.int32)
                                  + lax.iota(jnp.int32, L) * (N + 1))
    pltpu.async_copy(data_hbm.at[idx_v], rows_v, sem_d).wait()
    pltpu.sync_copy(rows_v, outd_hbm.at[pl.ds(base, RPW)])


_RT = D
_GB = N // _RT


def _apply_body(m_ref, rows_ref, outd_ref, outdg_ref):
    b = pl.program_id(0)
    g = pl.program_id(1)
    x = m_ref[0].astype(jnp.int32)
    row = lax.broadcasted_iota(jnp.int32, (_RT, D), 0)
    col = lax.broadcasted_iota(jnp.int32, (_RT, D), 1)
    diag = jnp.sum(jnp.where(col == row, x, 0),
                   axis=1).astype(jnp.float32)
    outd_ref[0] = rows_ref[...] * diag[:, None]
    outdg_ref[pl.ds(b * _GB + g, 1), :] = diag[None, :]


def _mask_apply(mask_i8, rows):
    return pl.pallas_call(
        _apply_body,
        grid=(B, _GB),
        in_specs=[pl.BlockSpec((1, _RT, D), lambda b, g: (b, g, g)),
                  pl.BlockSpec((_RT, D), lambda b, g: (b * _GB + g, 0))],
        out_specs=[pl.BlockSpec((1, _RT, D), lambda b, g: (b, g, 0)),
                   pl.BlockSpec((B * _GB, D), lambda b, g: (0, 0))],
        out_shape=[jax.ShapeDtypeStruct((B, N, D), jnp.float32),
                   jax.ShapeDtypeStruct((B * _GB, D), jnp.float32)],
    )(mask_i8, rows)


def kernel(A_data, A_mask):
    data_flat = A_data.reshape(B * N * N, D)

    mesh = plsc.VectorSubcoreMesh(core_axis_name="c", subcore_axis_name="s",
                                  num_cores=NC, num_subcores=NS)
    run = functools.partial(
        pl.kernel,
        mesh=mesh,
        out_type=jax.ShapeDtypeStruct((R, D), jnp.float32),
        scratch_types=[pltpu.VMEM((RPW,), jnp.int32),
                       pltpu.VMEM((RPW, D), jnp.float32),
                       pltpu.SemaphoreType.DMA],
    )(_diag_kernel)

    rows = run(data_flat)
    outd, diagf = _mask_apply(A_mask.astype(jnp.int8), rows)
    return outd, (diagf.reshape(B, N) != 0)

# --- scband reference (transcript-rebuilt; emitter-appended) ---
"""Pipeline reference for scband-op-diag-42666205119415 (READ-ONLY COPY).

The authoritative reference and input builder live on the scoring server;
editing this copy changes nothing except your own understanding.
"""

import jax, jax.numpy as jnp
import numpy as np

DIMS = [1, 2]  # dims along which to extract the joint diagonal (from init_kwargs)


def _multi_diag(x, dims):
    """Extract the joint diagonal along `dims`; resulting merged dim is placed at dims[0].
    Faithful to pygho MaskedTensor.diag semantics: the diagonal dimension replaces the
    first of the listed dims and the others are removed."""
    dims = sorted(set(dims))
    d0 = dims[0]
    cur = x
    # Merge from the rightmost dim inward so earlier axis indices stay valid.
    for d in dims[1:][::-1]:
        cur = jnp.diagonal(cur, axis1=d0, axis2=d)  # diag axis appended at the end
        cur = jnp.moveaxis(cur, -1, d0)
    return cur


def setup_inputs(seed: int = 0) -> dict:
    key = jax.random.key(seed)
    k1, k2 = jax.random.split(key)
    B, N, d = 8, 256, 128
    A_data = jax.random.normal(k1, (B, N, N, d), dtype=jnp.float32)
    A_mask = jnp.ones((B, N, N), dtype=bool)
    return {"A_data": A_data, "A_mask": A_mask}


def reference(A_data, A_mask):
    # MaskedTensor.diag(dims): extract diagonal of both data and mask along dims;
    # masked-out entries of the data are filled with the pad value (0).
    diag_data = _multi_diag(A_data, DIMS)              # [B, N, d]
    diag_mask = _multi_diag(A_mask, DIMS)              # [B, N]
    diag_data = jnp.where(diag_mask[..., None], diag_data, jnp.zeros((), dtype=diag_data.dtype))
    return (diag_data, diag_mask)

if __name__ == "__main__":
    import jax
    _d = setup_inputs()
    print(jax.jit(kernel)(*tuple(_d.values())))

</pallas_src>

<mosaic_0001>
#map = affine_map<(d0, d1) -> (0, 0)>
module attributes {stable_mosaic.version = 14 : i64} {
  func.func @_diag_kernel(%arg0: i32, %arg1: i32, %arg2: memref<524288x128xf32, #tpu.memory_space<hbm>>, %arg3: memref<2048x128xf32, #tpu.memory_space<hbm>>, %arg4: memref<64xi32, #tpu.memory_space<vmem>>, %arg5: memref<64x128xf32, #tpu.memory_space<vmem>>, %arg6: memref<!tpu.dma_semaphore, #tpu.memory_space<semaphore_mem>>) attributes {dimension_semantics = [#tpu.dimension_semantics<core_parallel>, #tpu.dimension_semantics<subcore_parallel>], iteration_bounds = array<i64: 2, 16>, scalar_prefetch = 0 : i64, scratch_operands = 3 : i64, tpu.core_type = #tpu.core_type<sc_vector_subcore>, window_params = [{transform_indices = #map}, {transform_indices = #map}]} {
    %mul3A = arith.constant 2 : i32
    %mul3A_0 = arith.muli %arg1, %mul3A : i32
    %add3A = arith.addi %mul3A_0, %arg0 : i32
    %mul3A_1 = arith.constant 64 : i32
    %mul3A_2 = arith.muli %add3A, %mul3A_1 : i32
    %jit3A = arith.constant 256 : i32
    %div3A = arith.divsi %mul3A_2, %jit3A : i32
    %sign3A = arith.constant 0 : i32
    %sign3A_3 = arith.cmpi sgt, %mul3A_2, %sign3A : i32
    %sign3A_4 = arith.extui %sign3A_3 : i1 to i32
    %sign3A_5 = arith.constant 0 : i32
    %sign3A_6 = arith.cmpi slt, %mul3A_2, %sign3A_5 : i32
    %sign3A_7 = arith.extui %sign3A_6 : i1 to i32
    %sign3A_8 = arith.subi %sign3A_4, %sign3A_7 : i32
    %sign3A_9 = arith.constant 0 : i32
    %sign3A_10 = arith.cmpi sgt, %jit3A, %sign3A_9 : i32
    %sign3A_11 = arith.extui %sign3A_10 : i1 to i32
    %sign3A_12 = arith.constant 0 : i32
    %sign3A_13 = arith.cmpi slt, %jit3A, %sign3A_12 : i32
    %sign3A_14 = arith.extui %sign3A_13 : i1 to i32
    %sign3A_15 = arith.subi %sign3A_11, %sign3A_14 : i32
    %ne3A = arith.cmpi ne, %sign3A_8, %sign3A_15 : i32
    %rem3A = arith.remsi %mul3A_2, %jit3A : i32
    %ne3A_16 = arith.constant 0 : i32
    %ne3A_17 = arith.cmpi ne, %rem3A, %ne3A_16 : i32
    %and3A = arith.andi %ne3A, %ne3A_17 : i1
    %sub3A = arith.constant 1 : i32
    %sub3A_18 = arith.subi %div3A, %sub3A : i32
    %select_n3A = arith.select %and3A, %sub3A_18, %div3A : i32
    %jit3A_19 = arith.constant 256 : i32
    %eq3A = arith.constant 0 : i32
    %eq3A_20 = arith.cmpi eq, %jit3A_19, %eq3A : i32
    %jit3A_21 = arith.constant 1 : i32
    %select_n3A_22 = arith.select %eq3A_20, %jit3A_21, %jit3A_19 : i32
    %rem3A_23 = arith.remsi %mul3A_2, %select_n3A_22 : i32
    %ne3A_24 = arith.constant 0 : i32
    %ne3A_25 = arith.cmpi ne, %rem3A_23, %ne3A_24 : i32
    %lt3A = arith.constant 0 : i32
    %lt3A_26 = arith.cmpi slt, %rem3A_23, %lt3A : i32
    %lt3A_27 = arith.constant 0 : i32
    %lt3A_28 = arith.cmpi slt, %select_n3A_22, %lt3A_27 : i32
    %ne3A_29 = arith.xori %lt3A_26, %lt3A_28 : i1
    %and3A_30 = arith.andi %ne3A_29, %ne3A_25 : i1
    %add3A_31 = arith.addi %rem3A_23, %select_n3A_22 : i32
    %select_n3A_32 = arith.select %and3A_30, %add3A_31, %rem3A_23 : i32
    %mul3A_33 = arith.constant 65536 : i32
    %mul3A_34 = arith.muli %select_n3A, %mul3A_33 : i32
    %add3A_35 = arith.constant 0 : i32
    %add3A_36 = arith.addi %select_n3A_32, %add3A_35 : i32
    %mul3A_37 = arith.constant 257 : i32
    %mul3A_38 = arith.muli %add3A_36, %mul3A_37 : i32
    %add3A_39 = arith.addi %mul3A_34, %mul3A_38 : i32
    %broadcast_in_dim3A = vector.broadcast %add3A_39 : i32 to vector<16xi32>
    %iota3A = tpu.iota {dimensions = array<i32: 0>} : vector<16xi32>
    %mul3A_40 = arith.constant 257 : i32
    %mul3A_41 = vector.broadcast %mul3A_40 : i32 to vector<16xi32>
    %mul3A_42 = arith.muli %iota3A, %mul3A_41 : vector<16xi32>
    %add3A_43 = arith.addi %broadcast_in_dim3A, %mul3A_42 : vector<16xi32>
    %swap3A = arith.constant 0 : index
    %swap3A_44 = tpu.vector_load %arg4[%swap3A] {strides = array<i32>} : memref<64xi32, #tpu.memory_space<vmem>>, vector<16xi32>,
    %swap3A_45 = vector.shape_cast %swap3A_44 : vector<16xi32> to vector<16xi32>
    %swap3A_46 = vector.shape_cast %add3A_43 : vector<16xi32> to vector<16xi32>
    tpu.vector_store %arg4[%swap3A], %swap3A_46 {strides = array<i32>} : memref<64xi32, #tpu.memory_space<vmem>>, vector<16xi32>,
    %mul3A_47 = arith.constant 65536 : i32
    %mul3A_48 = arith.muli %select_n3A, %mul3A_47 : i32
    %add3A_49 = arith.constant 16 : i32
    %add3A_50 = arith.addi %select_n3A_32, %add3A_49 : i32
    %mul3A_51 = arith.constant 257 : i32
    %mul3A_52 = arith.muli %add3A_50, %mul3A_51 : i32
    %add3A_53 = arith.addi %mul3A_48, %mul3A_52 : i32
    %broadcast_in_dim3A_54 = vector.broadcast %add3A_53 : i32 to vector<16xi32>
    %iota3A_55 = tpu.iota {dimensions = array<i32: 0>} : vector<16xi32>
    %mul3A_56 = arith.constant 257 : i32
    %mul3A_57 = vector.broadcast %mul3A_56 : i32 to vector<16xi32>
    %mul3A_58 = arith.muli %iota3A_55, %mul3A_57 : vector<16xi32>
    %add3A_59 = arith.addi %broadcast_in_dim3A_54, %mul3A_58 : vector<16xi32>
    %swap3A_60 = arith.constant 16 : index
    %swap3A_61 = tpu.vector_load %arg4[%swap3A_60] {strides = array<i32>} : memref<64xi32, #tpu.memory_space<vmem>>, vector<16xi32>,
    %swap3A_62 = vector.shape_cast %swap3A_61 : vector<16xi32> to vector<16xi32>
    %swap3A_63 = vector.shape_cast %add3A_59 : vector<16xi32> to vector<16xi32>
    tpu.vector_store %arg4[%swap3A_60], %swap3A_63 {strides = array<i32>} : memref<64xi32, #tpu.memory_space<vmem>>, vector<16xi32>,
    %mul3A_64 = arith.constant 65536 : i32
    %mul3A_65 = arith.muli %select_n3A, %mul3A_64 : i32
    %add3A_66 = arith.constant 32 : i32
    %add3A_67 = arith.addi %select_n3A_32, %add3A_66 : i32
    %mul3A_68 = arith.constant 257 : i32
    %mul3A_69 = arith.muli %add3A_67, %mul3A_68 : i32
    %add3A_70 = arith.addi %mul3A_65, %mul3A_69 : i32
    %broadcast_in_dim3A_71 = vector.broadcast %add3A_70 : i32 to vector<16xi32>
    %iota3A_72 = tpu.iota {dimensions = array<i32: 0>} : vector<16xi32>
    %mul3A_73 = arith.constant 257 : i32
    %mul3A_74 = vector.broadcast %mul3A_73 : i32 to vector<16xi32>
    %mul3A_75 = arith.muli %iota3A_72, %mul3A_74 : vector<16xi32>
    %add3A_76 = arith.addi %broadcast_in_dim3A_71, %mul3A_75 : vector<16xi32>
    %swap3A_77 = arith.constant 32 : index
    %swap3A_78 = tpu.vector_load %arg4[%swap3A_77] {strides = array<i32>} : memref<64xi32, #tpu.memory_space<vmem>>, vector<16xi32>,
    %swap3A_79 = vector.shape_cast %swap3A_78 : vector<16xi32> to vector<16xi32>
    %swap3A_80 = vector.shape_cast %add3A_76 : vector<16xi32> to vector<16xi32>
    tpu.vector_store %arg4[%swap3A_77], %swap3A_80 {strides = array<i32>} : memref<64xi32, #tpu.memory_space<vmem>>, vector<16xi32>,
    %mul3A_81 = arith.constant 65536 : i32
    %mul3A_82 = arith.muli %select_n3A, %mul3A_81 : i32
    %add3A_83 = arith.constant 48 : i32
    %add3A_84 = arith.addi %select_n3A_32, %add3A_83 : i32
    %mul3A_85 = arith.constant 257 : i32
    %mul3A_86 = arith.muli %add3A_84, %mul3A_85 : i32
    %add3A_87 = arith.addi %mul3A_82, %mul3A_86 : i32
    %broadcast_in_dim3A_88 = vector.broadcast %add3A_87 : i32 to vector<16xi32>
    %iota3A_89 = tpu.iota {dimensions = array<i32: 0>} : vector<16xi32>
    %mul3A_90 = arith.constant 257 : i32
    %mul3A_91 = vector.broadcast %mul3A_90 : i32 to vector<16xi32>
    %mul3A_92 = arith.muli %iota3A_89, %mul3A_91 : vector<16xi32>
    %add3A_93 = arith.addi %broadcast_in_dim3A_88, %mul3A_92 : vector<16xi32>
    %swap3A_94 = arith.constant 48 : index
    %swap3A_95 = tpu.vector_load %arg4[%swap3A_94] {strides = array<i32>} : memref<64xi32, #tpu.memory_space<vmem>>, vector<16xi32>,
    %swap3A_96 = vector.shape_cast %swap3A_95 : vector<16xi32> to vector<16xi32>
    %swap3A_97 = vector.shape_cast %add3A_93 : vector<16xi32> to vector<16xi32>
    tpu.vector_store %arg4[%swap3A_94], %swap3A_97 {strides = array<i32>} : memref<64xi32, #tpu.memory_space<vmem>>, vector<16xi32>,
    %dma_start3A = arith.constant 0 : i32
    %dma_start3A_98 = arith.constant 0 : i32
    %dma_start3A_99 = tpu.memref_slice %arg2[%dma_start3A, %dma_start3A_98] : memref<524288x128xf32, #tpu.memory_space<hbm>> -> memref<524288x128xf32, #tpu.memory_space<hbm>>
    tpu.enqueue_indirect_dma source(%dma_start3A_99 : memref<524288x128xf32, #tpu.memory_space<hbm>>) target(%arg5 : memref<64x128xf32, #tpu.memory_space<vmem>>) offsets(%arg4 : memref<64xi32, #tpu.memory_space<vmem>>) semaphore(%arg6 : memref<!tpu.dma_semaphore, #tpu.memory_space<semaphore_mem>>)
    %dma_wait3A = arith.constant 0 : i32
    %dma_wait3A_100 = arith.constant 0 : i32
    %dma_wait3A_101 = tpu.memref_slice %arg2[%dma_wait3A, %dma_wait3A_100] : memref<524288x128xf32, #tpu.memory_space<hbm>> -> memref<524288x128xf32, #tpu.memory_space<hbm>>
    tpu.wait_indirect_dma semaphore(%arg6 : memref<!tpu.dma_semaphore, #tpu.memory_space<semaphore_mem>>) src(%dma_wait3A_101 : memref<524288x128xf32, #tpu.memory_space<hbm>>) dst(%arg5 : memref<64x128xf32, #tpu.memory_space<vmem>>)
    "tpu.region"() ({
      %run_scoped3A = tpu.sem_alloc : memref<!tpu.dma_semaphore, #tpu.memory_space<semaphore_mem>>
      %dma_start3A_102 = arith.constant 0 : i32
      %dma_start3A_103 = tpu.memref_slice %arg3[%mul3A_2, %dma_start3A_102] : memref<2048x128xf32, #tpu.memory_space<hbm>> -> memref<64x128xf32, #tpu.memory_space<hbm>>
      %dma_start3A_104 = arith.constant 0 : i32
      %dma_start3A_105 = tpu.memref_slice %arg3[%mul3A_2, %dma_start3A_104] : memref<2048x128xf32, #tpu.memory_space<hbm>> -> memref<64x128xf32, #tpu.memory_space<hbm>>
      tpu.enqueue_dma source(%arg5 : memref<64x128xf32, #tpu.memory_space<vmem>>) target(%dma_start3A_105 : memref<64x128xf32, #tpu.memory_space<hbm>>) target_semaphore(%run_scoped3A : memref<!tpu.dma_semaphore, #tpu.memory_space<semaphore_mem>>)
      %dma_wait3A_106 = arith.constant 0 : i32
      %dma_wait3A_107 = tpu.memref_slice %arg3[%mul3A_2, %dma_wait3A_106] : memref<2048x128xf32, #tpu.memory_space<hbm>> -> memref<64x128xf32, #tpu.memory_space<hbm>>
      %dma_wait3A_108 = arith.constant 0 : i32
      %dma_wait3A_109 = tpu.memref_slice %arg3[%mul3A_2, %dma_wait3A_108] : memref<2048x128xf32, #tpu.memory_space<hbm>> -> memref<64x128xf32, #tpu.memory_space<hbm>>
      tpu.wait_dma2 semaphore(%run_scoped3A : memref<!tpu.dma_semaphore, #tpu.memory_space<semaphore_mem>>) src(%arg5 : memref<64x128xf32, #tpu.memory_space<vmem>>) dst(%dma_wait3A_109 : memref<64x128xf32, #tpu.memory_space<hbm>>)
      tpu.yield
    }) : () -> ()
    return
  }
}

module attributes {stable_mosaic.version = 14 : i64} {
  func.func @_apply_body(%arg0: i32, %arg1: i32, %arg2: memref<1x128x128xi8, #tpu.memory_space<vmem>>, %arg3: memref<128x128xf32, #tpu.memory_space<vmem>>, %arg4: memref<1x128x128xf32, #tpu.memory_space<vmem>>, %arg5: memref<16x128xf32, #tpu.memory_space<vmem>>) attributes {dimension_semantics = [#tpu.dimension_semantics<arbitrary>, #tpu.dimension_semantics<arbitrary>], iteration_bounds = array<i64: 8, 2>, scalar_prefetch = 0 : i64, scratch_operands = 0 : i64, tpu.core_type = #tpu.core_type<tc>, window_params = [{transform_indices = @transform_0, window_bounds = array<i64: 1, 128, 128>}, {transform_indices = @transform_1, window_bounds = array<i64: 128, 128>}, {transform_indices = @transform_2, window_bounds = array<i64: 1, 128, 128>}, {pipeline_mode = #tpu.pipeline_mode<synchronous>, transform_indices = @transform_3, window_bounds = array<i64: 16, 128>}]} {
    %get3A = arith.constant 0 : index
    %get3A_0 = arith.constant 0 : index
    %get3A_1 = arith.constant 0 : index
    %get3A_2 = vector.load %arg2[%get3A, %get3A_0, %get3A_1] : memref<1x128x128xi8, #tpu.memory_space<vmem>>, vector<1x128x128xi8>
    %get3A_3 = vector.shape_cast %get3A_2 : vector<1x128x128xi8> to vector<128x128xi8>
    %convert_element_type3A = arith.extsi %get3A_3 : vector<128x128xi8> to vector<128x128xi32>
    %iota3A = tpu.iota {dimensions = array<i32: 0>} : vector<128x128xi32>
    %iota3A_4 = tpu.iota {dimensions = array<i32: 1>} : vector<128x128xi32>
    %eq3A = arith.cmpi eq, %iota3A_4, %iota3A : vector<128x128xi32>
    %jit3A = arith.constant 0 : i32
    %broadcast_in_dim3A = vector.broadcast %jit3A : i32 to vector<128x128xi32>
    %select_n3A = arith.select %eq3A, %convert_element_type3A, %broadcast_in_dim3A : vector<128x128xi1>, vector<128x128xi32>
    %reduce_sum3A = arith.constant dense<0> : vector<128xi32>
    %reduce_sum3A_5 = vector.multi_reduction <add>, %select_n3A, %reduce_sum3A [1] : vector<128x128xi32> to vector<128xi32>
    %convert_element_type3A_6 = arith.sitofp %reduce_sum3A_5 : vector<128xi32> to vector<128xf32>
    %get3A_7 = arith.constant 0 : index
    %get3A_8 = arith.constant 0 : index
    %get3A_9 = vector.load %arg3[%get3A_7, %get3A_8] : memref<128x128xf32, #tpu.memory_space<vmem>>, vector<128x128xf32>
    %broadcast_in_dim3A_10 = vector.shape_cast %convert_element_type3A_6 : vector<128xf32> to vector<128x1xf32>
    %mul3A = vector.broadcast %broadcast_in_dim3A_10 : vector<128x1xf32> to vector<128x128xf32>
    %mul3A_11 = arith.mulf %get3A_9, %mul3A : vector<128x128xf32>
    %swap3A = arith.constant 0 : index
    %swap3A_12 = arith.constant 0 : index
    %swap3A_13 = arith.constant 0 : index
    %swap3A_14 = vector.load %arg4[%swap3A, %swap3A_12, %swap3A_13] : memref<1x128x128xf32, #tpu.memory_space<vmem>>, vector<1x128x128xf32>
    %swap3A_15 = vector.shape_cast %swap3A_14 : vector<1x128x128xf32> to vector<128x128xf32>
    %swap3A_16 = vector.shape_cast %mul3A_11 : vector<128x128xf32> to vector<1x128x128xf32>
    tpu.vector_store %arg4[%swap3A, %swap3A_12, %swap3A_13], %swap3A_16 {strides = array<i32>} : memref<1x128x128xf32, #tpu.memory_space<vmem>>, vector<1x128x128xf32>,
    %broadcast_in_dim3A_17 = vector.shape_cast %convert_element_type3A_6 : vector<128xf32> to vector<1x128xf32>
    %mul3A_18 = arith.constant 2 : i32
    %mul3A_19 = arith.muli %arg0, %mul3A_18 : i32
    %add3A = arith.addi %mul3A_19, %arg1 : i32
    %swap3A_20 = arith.index_cast %add3A : i32 to index
    %swap3A_21 = arith.constant 0 : index
    %swap3A_22 = vector.load %arg5[%swap3A_20, %swap3A_21] : memref<16x128xf32, #tpu.memory_space<vmem>>, vector<1x128xf32>
    tpu.vector_store %arg5[%swap3A_20, %swap3A_21], %broadcast_in_dim3A_17 {strides = array<i32>} : memref<16x128xf32, #tpu.memory_space<vmem>>, vector<1x128xf32>,
    return
  }
  func.func @transform_0(%arg0: i32, %arg1: i32) -> (i32, i32, i32) {
    %c0_i32 = arith.constant 0 : i32
    return %arg0, %arg1, %arg1 : i32, i32, i32
  }
  func.func @transform_1(%arg0: i32, %arg1: i32) -> (i32, i32) {
    %mul3A = arith.constant 2 : i32
    %mul3A_0 = arith.muli %arg0, %mul3A : i32
    %add3A = arith.addi %mul3A_0, %arg1 : i32
    %c0_i32 = arith.constant 0 : i32
    %c0_i32_1 = arith.constant 0 : i32
    return %add3A, %c0_i32 : i32, i32
  }
  func.func @transform_2(%arg0: i32, %arg1: i32) -> (i32, i32, i32) {
    %c0_i32 = arith.constant 0 : i32
    %c0_i32_0 = arith.constant 0 : i32
    return %arg0, %arg1, %c0_i32 : i32, i32, i32
  }
  func.func @transform_3(%arg0: i32, %arg1: i32) -> (i32, i32) {
    %c0_i32 = arith.constant 0 : i32
    %c0_i32_0 = arith.constant 0 : i32
    %c0_i32_1 = arith.constant 0 : i32
    return %c0_i32, %c0_i32_0 : i32, i32
  }
}

</mosaic_0001>

<sc_bundles>
// kernel: kernel.4.cloned.1.call-start
scs
__scs_entry_jumppad:
0x0: {  	(pc) =	sbr.rel $0x88, $3  }
0x1: {  	(tag) =	ssettag $0x0;
	lr =	simm.s32 $0x1  }
0x2: {  	[smem:$0x3F9F] =	sst lr;
	_ =	strace $0xD0000000  }
0x3: {  	_ = 	snop  }
0x4: {  	_ = 	snop  }
0x5: {  	_ = 	snop  }
0x6: {  	_ = 	snop  }
0x7: {  	_ = 	snop  }
__scs_overlays_trampoline_lowered:
0x8: {  	[smem:$0x3FAE] =	sst s0  }
0x9: {  	[smem:$0x3FAF] =	sst s1  }
0xa: {  	[smem:$0x3FB0] =	sst s2  }
0xb: {  	[smem:$0x3FB1] =	sst s3  }
0xc: {  	[smem:$0x3FB2] =	sst s4  }
0xd: {  	[smem:$0x3FB3] =	sst s5  }
0xe: {  	[smem:$0x3FB4] =	sst s6  }
0xf: {  	[smem:$0x3FB5] =	sst s7  }
0x10: {  	[smem:$0x3FB6] =	sst s8  }
0x11: {  	[smem:$0x3FB7] =	sst s9;
	s0 =	simm.s32 @!p0 $0x0  }
0x12: {  	s1 =	sld [smem:$0x3F9D];
	s0 =	simm.s32 @p0 $0x1  }
0x13: {  	[smem:$0x3FB8] =	sst s0;
	s0 =	simm.s32 @!p1 $0x0  }
0x14: {  	s2 =	sld [smem:$0x3F9C];
	s0 =	simm.s32 @p1 $0x1  }
0x15: {  	[smem:$0x3FB9] =	sst s0;
	s0 =	simm.s32 @!p2 $0x0  }
0x16: {  	s3 =	sld [smem:$0x3FDB];
	s0 =	simm.s32 @p2 $0x1  }
0x17: {  	s4 =	simm.s32 $0x1BF5;
	[smem:$0x3FBB] =	sst s0  }
0x18: {  	s0 =	sld [smem:$0x3F9E];
	_ =	swait.ge [sflag:s4], $0x0  }
0x19: {  	s7 =	sld [smem:$0x3F9F]  }
0x1a: {  	s8 =	sadd.s32 $0xFFFFE003, lr  }
0x1b: {  	s9 =	sadd.s32 $0xFFFFFEF7, lr;
	s5 =	simm.s32 $0xFFFFFFFF;
	p2 =	slt.u32 s8, $0xFFFFF086  }
0x1c: {  	p1 =	slt.u32 s9, $0xF7A;
	s5 =	simm.s32 @!p2 $0x0  }
0x1d: {  	s5 =	simm.s32 @p1 $0x1;
	p0 =	seq.s32 s7, s2  }
0x1e: {  	s7 =	smul.u32 @!p0 $0xF7A, s2;
	p2 =	seq.s32 @!p0 s5, $0x0  }
0x1f: {  	s9 =	smul.u32 $0xF7A, s1;
	s8 =	simm.s32 @!p0 $0x1BF5;
	p2 =	por !p2, p0  }
0x20: {  	[sflag:s8] =	ssyncset.s32 @!p0 $0xFFFFF086;
	s6 =	sadd.s32 @!p0 s3, s7;
	s7 =	simm.s32 @!p0 $0x108  }
0x21: {  	s3 =	sadd.s32 s3, s9;
	s6 =	sadd.s32 @!p0 $0x88, s6;
	s7 =	simm.s32 @p2 $0x1082  }
0x22: {  	[simem:s7], [sflag:s8] =	dma.local @!p0 [hbm:s6], $0xF7A  }
0x23: {  	s9 =	sor.u32 $0xD0000000, s2;
	s6 =	simm.s32 $0x108;
	_ =	swait.ge @!p0 [sflag:s8], $0x0  }
0x24: {  	s3 =	sadd.s32 $0x88, s3;
	s6 =	simm.s32 @!p1 $0x1082;
	[sflag:s4] =	ssyncset.s32 $0xFFFFF086  }
0x25: {  	[simem:s6], [sflag:s4] =	dma.local [hbm:s3], $0xF7A  }
0x26: {  	[smem:$0x3F9F] =	sst s1;
	(tag) =	ssettag s2;
	_ =	strace s9  }
0x27: {  	s1 =	sld [smem:$0x3FAF]  }
0x28: {  	s2 =	sld [smem:$0x3FB0]  }
0x29: {  	s4 =	sld [smem:$0x3FB2]  }
0x2a: {  	p0 =	seq.s32 s5, $0x0;
	s5 =	sld [smem:$0x3FB3]  }
0x2b: {  	s6 =	sld [smem:$0x3FB4]  }
0x2c: {  	s7 =	sld [smem:$0x3FB5]  }
0x2d: {  	s3 =	simm.s32 $0x108;
	s8 =	sld [smem:$0x3FB6]  }
0x2e: {  	s3 =	simm.s32 @!p0 $0x1082;
	s9 =	sld [smem:$0x3FB7]  }
0x2f: {  	lr =	sadd.s32 s0, s3;
	s0 =	sld [smem:$0x3FAE]  }
0x30: {  	s3 =	sld [smem:$0x3FB1]  }
0x31: {  	[smem:$0x3FBA] =	sst s10  }
0x32: {  	s10 =	sld [smem:$0x3FB8];
	_ =	sdelay $0x3  }
0x33: {  	p0 =	seq.s32 s10, $0x1;
	s10 =	sld [smem:$0x3FBA];
	_ =	sdelay $0x3  }
0x34: {  	[smem:$0x3FBA] =	sst s10  }
0x35: {  	s10 =	sld [smem:$0x3FB9];
	_ =	sdelay $0x3  }
0x36: {  	p1 =	seq.s32 s10, $0x1;
	s10 =	sld [smem:$0x3FBA];
	_ =	sdelay $0x3  }
0x37: {  	[smem:$0x3FBA] =	sst s10  }
0x38: {  	s10 =	sld [smem:$0x3FBB]  }
0x39: {  	_ = 	snop;
	(pc) =	sbr.ind lr, $3  }
0x3a: {  	_ = 	snop  }
0x3b: {  	_ = 	snop  }
0x3c: {  	p2 =	seq.s32 s10, $0x1;
	s10 =	sld [smem:$0x3FBA]  }
0x3d: {  	_ =	shalt  }
0x3e: {  	_ =	shalt  }
0x3f: {  	_ =	shalt  }
0x40: {  	_ =	shalt  }
0x41: {  	_ =	shalt  }
0x42: {  	_ =	shalt  }
0x43: {  	_ =	shalt  }
0x44: {  	_ =	shalt  }
0x45: {  	_ =	shalt  }
0x46: {  	_ =	shalt  }
0x47: {  	_ =	shalt  }
0x48: {  	_ =	shalt  }
0x49: {  	_ =	shalt  }
0x4a: {  	_ =	shalt  }
0x4b: {  	_ =	shalt  }
0x4c: {  	_ =	shalt  }
0x4d: {  	_ =	shalt  }
0x4e: {  	_ =	shalt  }
0x4f: {  	_ =	shalt  }
0x50: {  	_ =	shalt  }
0x51: {  	_ =	shalt  }
0x52: {  	_ =	shalt  }
0x53: {  	_ =	shalt  }
0x54: {  	_ =	shalt  }
0x55: {  	_ =	shalt  }
0x56: {  	_ =	shalt  }
0x57: {  	_ =	shalt  }
0x58: {  	_ =	shalt  }
0x59: {  	_ =	shalt  }
0x5a: {  	_ =	shalt  }
0x5b: {  	_ =	shalt  }
0x5c: {  	_ =	shalt  }
0x5d: {  	_ =	shalt  }
0x5e: {  	_ =	shalt  }
0x5f: {  	_ =	shalt  }
0x60: {  	_ =	shalt  }
0x61: {  	_ =	shalt  }
0x62: {  	_ =	shalt  }
0x63: {  	_ =	shalt  }
0x64: {  	_ =	shalt  }
0x65: {  	_ =	shalt  }
0x66: {  	_ =	shalt  }
0x67: {  	_ =	shalt  }
0x68: {  	_ =	shalt  }
0x69: {  	_ =	shalt  }
0x6a: {  	_ =	shalt  }
0x6b: {  	_ =	shalt  }
0x6c: {  	_ =	shalt  }
0x6d: {  	_ =	shalt  }
0x6e: {  	_ =	shalt  }
0x6f: {  	_ =	shalt  }
0x70: {  	_ =	shalt  }
0x71: {  	_ =	shalt  }
0x72: {  	_ =	shalt  }
0x73: {  	_ =	shalt  }
0x74: {  	_ =	shalt  }
0x75: {  	_ =	shalt  }
0x76: {  	_ =	shalt  }
0x77: {  	_ =	shalt  }
0x78: {  	_ =	shalt  }
0x79: {  	_ =	shalt  }
0x7a: {  	_ =	shalt  }
0x7b: {  	_ =	shalt  }
0x7c: {  	_ =	shalt  }
0x7d: {  	_ =	shalt  }
0x7e: {  	_ =	shalt  }
0x7f: {  	_ =	shalt  }
0x80: {  	_ =	shalt  }
0x81: {  	_ =	shalt  }
0x82: {  	_ =	shalt  }
0x83: {  	_ =	shalt  }
0x84: {  	_ =	shalt  }
0x85: {  	_ =	shalt  }
0x86: {  	_ =	shalt  }
0x87: {  	_ =	shalt  }
.Lfunc_end0:
.L_simem_size_0:
called_computation_lowered:
.L_overlay_start_0:
0x88: {  	s2 =	sld [smem:$0x3FD9]  }
0x89: {  	s3 =	sld [smem:$0x3FFE];
	_ =	sdelay $0x1  }
0x8a: {  	s1 =	srdreg.scid  }
0x8b: {  	s0 =	sand.u32 $0x1, s1  }
0x8c: {  	s15 =	sshll.u32 s0, $0xA;
	s2 =	sadd.s32 s3, s2  }
0x8d: {  	s2 =	sadd.s32 s2, s15  }
0x8e: {  	[smem:$0x3FC6] =	sst s2  }
0x8f: {  	_ = 	snop  }
0x90: {  	s2 =	sld [smem:$0x3FD0];
	_ =	sdelay $0x2  }
0x91: {  	s4 =	simm.s32 $0xA;
	s5 =	simm.s32 $0x10;
	s16 =	sld [smem:$0x3FC9]  }
0x92: {  	[smem:s5], [sflag:s4] =	dma.local [hbm:s2], $0x1  }
0x93: {  	_ =	swait.eq [sflag:s4], $0x1  }
0x94: {  	[sflag:s4] =	ssyncset.done $0x0  }
0x95: {  	[sflag:s4] =	ssyncadd.s32 $0xFFFFFFFF  }
0x96: {  	s17 =	sld [smem:$0x10];
	(tm) =	ssettm $0x1  }
0x97: {  	s18 =	sld [smem:$0x3FFB];
	_ =	sdelay $0x3  }
0x98: {  	_ =	strace s18  }
0x99: {  	s4 =	sld [smem:$0x3FFC];
	_ =	sdelay $0x3  }
0x9a: {  	_ =	strace s4  }
0x9b: {  	s4 =	sld [smem:$0x3FFD];
	_ =	sdelay $0x3  }
0x9c: {  	_ =	strace s4  }
0x9d: {  	_ =	strace $0x8FFFFFFF  }
0x9e: {  	s19 =	sld [smem:$0x3FDB];
	_ =	sdelay $0x1  }
0x9f: {  	s20 =	simm.s32 $_scs_section_size  }
0xa0: {  	s6 =	simm.s32 $_size__tile_overlayer_lowered;
	s7 =	simm.s32 $_tile_overlayer_lowered  }
0xa1: {  	s23 =	simm.s32 $0x1BFF;
	s22 =	sshll.u32 s7, $0x1;
	s4 =	sadd.s32 s20, s19  }
0xa2: {  	s8 =	simm.s32 $0x0;
	s21 =	sshll.u32 s6, $0x1;
	s6 =	sadd.s32 s22, s4  }
0xa3: {  	[timem:s8], [sflag:s23] =	dma.local [hbm:s6], s21  }
0xa4: {  	_ =	swait.ge [sflag:s23], s21  }
0xa5: {  	s5 =	ssub.s32 $0x0, s21;
	[sflag:s23] =	ssyncset.done $0x0  }
0xa6: {  	[sflag:s23] =	ssyncadd.s32 s5;
	_ =	sdelay $0x1  }
0xa7: {  	s24 =	simm.s32 $0x1B8B  }
0xa8: {  	_ =	swait.ge [sflag:s24], $0x1  }
0xa9: {  	[sflag:s24] =	ssyncset.done $0x0  }
0xaa: {  	s25 =	simm.s32 $0x1B8E;
	[sflag:s24] =	ssyncadd.s32 $0xFFFFFFFF  }
0xab: {  	s26 =	simm.s32 $execute0_lowered;
	[smem:$0x3FD2] =	sst s25  }
0xac: {  	s5 =	sshll.u32 s26, $0x1;
	_ =	strace $0x80000046;
	[dreg:$0x1] =	wrdreg $0xFFFFFFFF  }
0xad: {  	s28 =	simm.s32 $_size_execute0_lowered;
	s4 =	sadd.s32 s4, s5;
	[dreg:$0x0] =	wrdreg $0x0  }
0xae: {  	s5 =	sshll.u32 s28, $0x1;
	[dreg:$0x2] =	wrdreg s4  }
0xaf: {  	[dreg:$0x3] =	wrdreg s5  }
0xb0: {  	[dreg:$0x4] =	wrdreg $0xC0  }
0xb1: {  	_ =	task [dreg:s8], $0x5FFFF  }
0xb2: {  	[dreg:$0x1] =	wrdreg $0xFFFFFFFF  }
0xb3: {  	[dreg:$0x0] =	wrdreg $0x60  }
0xb4: {  	[dreg:$0x2] =	wrdreg s16  }
0xb5: {  	[dreg:$0x3] =	wrdreg s17  }
0xb6: {  	[dreg:$0x4] =	wrdreg $0x9  }
0xb7: {  	_ =	task.clear_ibuf [dreg:s8], $0x5FFFF;
	_ =	strace $0x90000046  }
0xb8: {  	s29 =	simm.s32 $0x9;
	_ =	strace $0x80000048  }
0xb9: {  	_ =	swait.ge [sflag:s29], $0x1  }
0xba: {  	[sflag:s29] =	ssyncadd.s32 $0xFFFFFFFF  }
0xbb: {  	_ =	strace $0x90000048  }
0xbc: {  	_ =	sfence  }
0xbd: {  	s30 =	sld [smem:$0x0];
	_ =	sdelay $0x2  }
0xbe: {  	s31 =	sshll.u32 s1, $0xD;
	s1 =	sshrl.u32 s1, $0x2  }
0xbf: {  	s3 =	sand.u32 $0x4000, s31;
	s1 =	sadd.s32 s1, s30  }
0xc0: {  	s0 =	sor.u32 s3, s0;
	s1 =	sshll.u32 s1, $0x11  }
0xc1: {  	s0 =	sor.u32 s1, s0  }
0xc2: {  	s0 =	sadd.s32 $0x8F2B, s0  }
0xc3: {  	[sflag:s0] =	ssyncadd.remote.s32 $0x1  }
0xc4: {  	_ =	sfence.sel $0xFFFF  }
0xc5: {  	[dreg:$0x0] =	wrdreg $0xFFFFFFFF;
	(pc) =	sbr.abs _section_cstart, $3  }
0xc6: {  	[dreg:$0x1] =	wrdreg $0xFFFFFFFF  }
0xc7: {  	_ =	task.clear_ibuf [dreg:s8], $0x2FFFF;
	_ =	strace $0x9FFFFFFF  }
0xc8: {  	(tm) =	ssettm $0x7FFFFFFF  }
0xc9: {  	_ =	shalt  }
tec
execute0_lowered:
.L_overlay_start_1:
0x0: {  	(tag) =	ssettag $0x1  }
0x1: {  	s1 =	srdreg.scid  }
0x2: {  	s0 =	stileid.u32;
	s4 =	sand.u32 $0x1, s1  }
0x3: {  	s30 =	sshll.u32 s0, $0x7;
	s2 =	sshll.u32 s4, $0x6  }
0x4: {  	s7 =	sor.u32 s2, s30  }
0x5: {  	s1 =	sand.u32 $0xC0, s7  }
0x6: {  	v0 =	vlaneseq.u32;
	s3 =	sshll.u32 s0, $0xF;
	s5 =	smul.u32 $0x101, s1  }
0x7: {  	s8 =	rddreg [dreg:$0x1];
	v3 =	vmul.u32 $0x101, v0;
	s6 =	sand.u32 $0x70000, s3  }
0x8: {  	s3 =	simm.s32 $0x0;
	s2 =	rddreg [dreg:$0x0];
	s5 =	sor.u32 s6, s5  }
0x9: {  	s9 =	ssub.s32 $0x2, s4;
	[smem:$0x7FF] =	sst s3;
	s6 =	sadd.s32 $0x2020, s5;
	v1 =	vadd.s32 s5, v3  }
0xa: {  	s1 =	rddreg [dreg:$0x2];
	_ =	strace $0x80000047;
	s31 =	sadd.s32 $0x3030, s5;
	v0 =	vadd.s32 s6, v3;
	[tilespmem:$0x0] =	vst v1  }
0xb: {  	s10 =	sshrl.u32 s9, $0x1;
	s5 =	sadd.s32 $0x1010, s5;
	v2 =	vadd.s32 s31, v3;
	[tilespmem:$0x20] =	vst v0  }
0xc: {  	s4 =	simm.s32 $0x40;
	s9 =	ssub.s32 s9, s10;
	v3 =	vadd.s32 s5, v3;
	[tilespmem:$0x30] =	vst v2  }
0xd: {  	s9 =	smax.u32 s9, $0x1;
	s5 =	simm.s32 $0x80;
	s6 =	simm.s32 $0x1;
	[tilespmem:$0x10] =	vst v3  }
0xe: {  	[tilespmem:s5], [sflag:$0x1] =	stream.indirect.gather [hbm4b:s2+s4], $0x80, s3, s4, $0xb8;
	[tilespmem:$0x2080] =	vst v63  }
0xf: {  	p0 =	sne.s32 s9, $0x1;
	_ =	swait.ge [sflag:s6], $0x2000  }
.Ltmp0:
0x10: {  	s7 =	sshll.u32 s7, $0x4;
	[sflag:s6] =	ssyncset.done $0x0;
	(pc) =	sbr.rel @!p0 .LBB2_2-.Ltmp0, $4  }
0x11: {  	s7 =	sadd.s32 s8, s7;
	s8 =	simm.s32 $0x2;
	[sflag:s6] =	ssyncadd.s32 $0xFFFFE000  }
0x12: {  	[hbm4b:s7+s3] =	stream.linear.scatter [tilespmem:s5], [sflag:$0x2], $0x2000, $0x38;
	[tilespmem:$0x2080] =	vst v63  }
0x13: {  	_ =	swait.ge [sflag:s8], $0x2000  }
0x14: {  	s9 =	sadd.s32 $0xFFFFFFFF, s9;
	[sflag:s8] =	ssyncset.done $0x0  }
.LBB2_1:
0x15: {  	p0 =	sne.s32 s9, $0x1;
	s9 =	sadd.s32 $0xFFFFFFFF, s9;
	[sflag:s8] =	ssyncadd.s32 $0xFFFFE000  }
0x16: {  	[tilespmem:$0x20] =	vst v0  }
0x17: {  	[tilespmem:$0x0] =	vst v1  }
0x18: {  	[tilespmem:$0x30] =	vst v2  }
0x19: {  	[tilespmem:$0x10] =	vst v3  }
0x1a: {  	[tilespmem:s5], [sflag:$0x1] =	stream.indirect.gather [hbm4b:s2+s4], $0x80, s3, s4, $0xb8;
	[tilespmem:$0x2080] =	vst v63  }
0x1b: {  	_ =	swait.ge [sflag:s6], $0x2000  }
.Ltmp1:
0x1c: {  	[sflag:s6] =	ssyncset.done $0x0;
	(pc) =	sbr.rel @p0 .LBB2_1-.Ltmp1, $4  }
0x1d: {  	[sflag:s6] =	ssyncadd.s32 $0xFFFFE000  }
0x1e: {  	[hbm4b:s7+s3] =	stream.linear.scatter [tilespmem:s5], [sflag:$0x2], $0x2000, $0x38;
	[tilespmem:$0x2080] =	vst v63  }
0x1f: {  	_ =	swait.ge [sflag:s8], $0x2000  }
0x20: {  	[sflag:s8] =	ssyncset.done $0x0  }
.LBB2_2:
0x21: {  	[sflag:s8] =	ssyncadd.s32 $0xFFFFE000  }
0x22: {  	_ =	sfence.sel $0x180000  }
0x23: {  	[bflag:$0x0] =	sbarrier.arrive $0xFFFF  }
0x24: {  	p0 =	sne.s32 s0, $0x0;
	_ =	strace $0x90000047  }
0x25: {  	s0 =	sadd.s32 @!p0 $0x100000, s1;
	[bflag:$0x2] =	sbarrier.arrive $0xFFFF  }
0x26: {  	[sflag:s0] =	ssyncadd.tile.s32 @!p0 $0x1;
	_ =	shalt  }
.Lfunc_end2:
_tile_overlayer_lowered:
.L_overlay_start_2:
0x27: {  	(tag) =	ssettag $0x2  }
0x28: {  	s0 =	rddreg [dreg:$0x0];
	s2 =	stileid.u32  }
0x29: {  	s1 =	rddreg [dreg:$0x1];
	p0 =	sne.s32 s2, $0x0  }
0x2a: {  	s3 =	rddreg [dreg:$0x2];
	[bflag:$0x3] =	sbarrier.arrive $0xFFFF;
	s2 =	simm.s32 @!p0 $0x1C02  }
0x2b: {  	[timem:s3], [sflag:s2] =	dma.local @!p0 [hbm:s0], s1  }
0x2c: {  	s0 =	simm.s32 @!p0 $0x2  }
0x2d: {  	_ =	swait.ge @!p0 [sflag:s0], s1  }
0x2e: {  	s1 =	ssub.s32 @!p0 $0x0, s1;
	[sflag:s0] =	ssyncset.done @!p0 $0x0  }
0x2f: {  	[sflag:s0] =	ssyncadd.s32 @!p0 s1  }
0x30: {  	[bflag:$0x3] =	sbarrier.arrive $0xFFFF  }
0x31: {  	_ =	shalt  }

</sc_bundles>
